<compile_context>
chip_gen: v7x
topology: tpu7x:2x2x1
jax: 0.10.2.dev20260603
libtpu: 0.0.44.dev20260713+nightly
codegen_flags: <defaults>
</compile_context>

<pallas_src>
import functools

import jax
import jax.numpy as jnp
from jax import lax
from jax.experimental import pallas as pl
from jax.experimental.pallas import tpu as pltpu
from jax.experimental.pallas import tpu_sc as plsc

_NC = 2
_NS = 16
_NW = _NC * _NS
_B = 128
_RBLK = 512
_FRAC0 = 0.66


def _make_sc_segsum(n, d, n_pad, nb0, nb1):
  rows_per_sub = n_pad // _NS
  nbm = max(nb0, nb1)
  mesh = plsc.VectorSubcoreMesh(core_axis_name="c", subcore_axis_name="s")

  @functools.partial(
      pl.kernel,
      out_type=(
          jax.ShapeDtypeStruct((_NC, n_pad, d), jnp.float32),
          jax.ShapeDtypeStruct((_NC, n_pad), jnp.float32),
      ),
      mesh=mesh,
      scratch_types=[
          pltpu.VMEM((nbm, _B), jnp.int32),
          pltpu.VMEM((nbm, _B), jnp.int32),
          pltpu.VMEM((_B, d), jnp.float32),
          pltpu.VMEM((_B,), jnp.float32),
          pltpu.VMEM_SHARED((n_pad, d), jnp.float32),
          pltpu.VMEM_SHARED((n_pad,), jnp.float32),
          pltpu.SemaphoreType.DMA,
          pltpu.SemaphoreType.DMA,
      ],
  )
  def sc_segsum(x_h, src_h, dst_h, zr_h, zd_h, part_h, degp_h,
                src_v, dst_v, rows_v, ones_v, acc_sh, deg_sh, sem, sem_deg):
    c = lax.axis_index("c")
    s = lax.axis_index("s")
    w = c * _NS + s
    nb_w = jnp.where(c == 0, nb0, nb1)

    pltpu.sync_copy(zr_h.at[pl.ds(s * rows_per_sub, rows_per_sub)],
                    acc_sh.at[pl.ds(s * rows_per_sub, rows_per_sub)])

    @pl.when(s == 0)
    def _zero_deg():
      pltpu.sync_copy(zd_h, deg_sh)

    for k in range(_B // 16):
      ones_v[pl.ds(16 * k, 16)] = jnp.ones((16,), jnp.float32)

    pltpu.sync_copy(src_h.at[w], src_v)
    pltpu.sync_copy(dst_h.at[w], dst_v)
    plsc.subcore_barrier()

    def body(i, carry):
      pltpu.async_copy(x_h.at[src_v.at[i]], rows_v, sem).wait()
      pltpu.sync_copy(rows_v, acc_sh.at[dst_v.at[i]], add=True)
      pltpu.async_copy(ones_v, deg_sh.at[dst_v.at[i]], sem_deg, add=True)
      return carry

    lax.fori_loop(0, nb_w, body, 0)

    def drain(i, carry):
      pltpu.make_async_copy(ones_v, deg_sh.at[dst_v.at[0]], sem_deg).wait()
      return carry

    lax.fori_loop(0, nb_w, drain, 0)
    plsc.subcore_barrier()

    pltpu.sync_copy(acc_sh.at[pl.ds(s * rows_per_sub, rows_per_sub)],
                    part_h.at[c, pl.ds(s * rows_per_sub, rows_per_sub)])

    @pl.when(s == 0)
    def _write_deg():
      pltpu.sync_copy(deg_sh, degp_h.at[c])

  return sc_segsum


def _tc_finish(p0_ref, p1_ref, d0_ref, d1_ref, w_ref, b_ref, o_ref):
  ssum = p0_ref[...] + p1_ref[...]
  deg = d0_ref[...] + d1_ref[...]
  inv = 1.0 / jnp.maximum(deg, 1.0)
  sn = ssum * inv
  h = jnp.dot(sn, w_ref[...], preferred_element_type=jnp.float32)
  h = h + b_ref[...]
  o_ref[...] = jnp.where(h >= 0.0, h, 0.01 * h)


def _split_batches(arr, pad_value, e, nb0, nb1, nbm):
  e0 = _NS * nb0 * _B
  e_pad = e0 + _NS * nb1 * _B
  p = jnp.pad(arr, (0, e_pad - e), constant_values=pad_value)
  c0 = p[:e0].reshape(_NS, nb0, _B)
  c1 = p[e0:].reshape(_NS, nb1, _B)
  c0 = jnp.pad(c0, ((0, 0), (0, nbm - nb0), (0, 0)),
               constant_values=pad_value)
  c1 = jnp.pad(c1, ((0, 0), (0, nbm - nb1), (0, 0)),
               constant_values=pad_value)
  return jnp.concatenate([c0, c1], axis=0)


def kernel(x, edge_index, W, b):
  n, d = x.shape
  e = edge_index.shape[1]
  nb0 = max(1, int(round(e * _FRAC0 / (_NS * _B))))
  nb1 = max(1, -(-(e - _NS * nb0 * _B) // (_NS * _B)))
  nbm = max(nb0, nb1)
  n_pad = (n // _RBLK + 1) * _RBLK

  src = edge_index[0]
  dst = edge_index[1]
  src_r = _split_batches(src, 0, e, nb0, nb1, nbm)
  dst_r = _split_batches(dst, n, e, nb0, nb1, nbm)
  zrows = jnp.zeros((n_pad, d), jnp.float32)
  zdeg = jnp.zeros((n_pad,), jnp.float32)

  part, degp = _make_sc_segsum(n, d, n_pad, nb0, nb1)(
      x, src_r, dst_r, zrows, zdeg)

  grid = n_pad // _RBLK
  d0 = degp[0].reshape(n_pad, 1)
  d1 = degp[1].reshape(n_pad, 1)
  out_pad = pl.pallas_call(
      _tc_finish,
      grid=(grid,),
      in_specs=[
          pl.BlockSpec((_RBLK, d), lambda i: (i, 0)),
          pl.BlockSpec((_RBLK, d), lambda i: (i, 0)),
          pl.BlockSpec((_RBLK, 1), lambda i: (i, 0)),
          pl.BlockSpec((_RBLK, 1), lambda i: (i, 0)),
          pl.BlockSpec((d, d), lambda i: (0, 0)),
          pl.BlockSpec((1, d), lambda i: (0, 0)),
      ],
      out_specs=pl.BlockSpec((_RBLK, d), lambda i: (i, 0)),
      out_shape=jax.ShapeDtypeStruct((n_pad, d), jnp.float32),
  )(part[0], part[1], d0, d1, W, b.reshape(1, d))
  return out_pad[:n]

# --- scband reference (transcript-rebuilt; emitter-appended) ---
"""Pipeline reference for scband-hgnn-gcn-edge-wo-sh-1778116460938 (READ-ONLY COPY).

The authoritative reference and input builder live on the scoring server;
editing this copy changes nothing except your own understanding.
"""

import jax, jax.numpy as jnp
import numpy as np

N = 10000   # nodes (healpix src / station dst share index space here)
E = 320000  # edges
D = 128     # hidden_size

def setup_inputs(seed: int = 0) -> dict:
    key = jax.random.key(seed)
    k1, k2, k3 = jax.random.split(key, 3)
    x = jax.random.normal(k1, (N, D), dtype=jnp.float32)
    edge_index = jax.random.randint(k2, (2, E), 0, N, dtype=jnp.int32)
    W = jax.random.normal(k3, (D, D), dtype=jnp.float32) * 0.05
    b = jnp.zeros((D,), dtype=jnp.float32)
    return {"x": x, "edge_index": edge_index, "W": W, "b": b}

def reference(x, edge_index, W, b):
    # Core HeteroGraphConv({edge: GraphConv(hidden, hidden, activation=LeakyReLU)})
    # with dglnn.EdgeWeightNorm(norm='right') semantics:
    #   edge weight = 1 / in_degree(dst); message = (x @ W)[src] * norm;
    #   aggregate = scatter-sum over dst; then bias + LeakyReLU.
    src = edge_index[0]
    dst = edge_index[1]
    deg = jnp.zeros((N,), jnp.float32).at[dst].add(1.0)
    deg = jnp.maximum(deg, 1.0)
    norm = (1.0 / deg)[dst]            # 'right' norm, one weight per edge
    h = x @ W                           # GraphConv applies weight before aggregation
    m = h[src] * norm[:, None]          # gather + per-edge scaling
    agg = jax.ops.segment_sum(m, dst, num_segments=N)  # scatter-add (sum aggregate)
    out = agg + b
    return jax.nn.leaky_relu(out, negative_slope=0.01)

if __name__ == "__main__":
    import jax
    _d = setup_inputs()
    print(jax.jit(kernel)(*tuple(_d.values())))

</pallas_src>

<mosaic_0001>
#map = affine_map<(d0, d1) -> (0, 0)>
#map1 = affine_map<(d0, d1) -> (0, 0, 0)>
#map2 = affine_map<(d0, d1) -> (0)>
module attributes {stable_mosaic.version = 14 : i64} {
  func.func @sc_segsum(%arg0: i32, %arg1: i32, %arg2: memref<10000x128xf32, #tpu.memory_space<hbm>>, %arg3: memref<32x103x128xi32, #tpu.memory_space<hbm>>, %arg4: memref<32x103x128xi32, #tpu.memory_space<hbm>>, %arg5: memref<10240x128xf32, #tpu.memory_space<hbm>>, %arg6: memref<10240xf32, #tpu.memory_space<hbm>>, %arg7: memref<2x10240x128xf32, #tpu.memory_space<hbm>>, %arg8: memref<2x10240xf32, #tpu.memory_space<hbm>>, %arg9: memref<103x128xi32, #tpu.memory_space<vmem>>, %arg10: memref<103x128xi32, #tpu.memory_space<vmem>>, %arg11: memref<128x128xf32, #tpu.memory_space<vmem>>, %arg12: memref<128xf32, #tpu.memory_space<vmem>>, %arg13: memref<10240x128xf32, #tpu.memory_space<vmem_shared>>, %arg14: memref<10240xf32, #tpu.memory_space<vmem_shared>>, %arg15: memref<!tpu.dma_semaphore, #tpu.memory_space<semaphore_mem>>, %arg16: memref<!tpu.dma_semaphore, #tpu.memory_space<semaphore_mem>>) attributes {dimension_semantics = [#tpu.dimension_semantics<core_parallel>, #tpu.dimension_semantics<subcore_parallel>], iteration_bounds = array<i64: 2, 16>, scalar_prefetch = 0 : i64, scratch_operands = 8 : i64, tpu.core_type = #tpu.core_type<sc_vector_subcore>, window_params = [{transform_indices = #map}, {transform_indices = #map1}, {transform_indices = #map1}, {transform_indices = #map}, {transform_indices = #map2}, {transform_indices = #map1}, {transform_indices = #map}]} {
    %mul3A = arith.constant 16 : i32
    %mul3A_0 = arith.muli %arg0, %mul3A : i32
    %add3A = arith.addi %mul3A_0, %arg1 : i32
    %eq3A = arith.constant 0 : i32
    %eq3A_1 = arith.cmpi eq, %arg0, %eq3A : i32
    %jit3A = arith.constant 103 : i32
    %jit3A_2 = arith.constant 54 : i32
    %select_n3A = arith.select %eq3A_1, %jit3A, %jit3A_2 : i32
    %mul3A_3 = arith.constant 640 : i32
    %mul3A_4 = arith.muli %arg1, %mul3A_3 : i32
    %mul3A_5 = arith.constant 640 : i32
    %mul3A_6 = arith.muli %arg1, %mul3A_5 : i32
    "tpu.region"() ({
      %run_scoped3A = tpu.sem_alloc : memref<!tpu.dma_semaphore, #tpu.memory_space<semaphore_mem>>
      %dma_start3A = arith.constant 0 : i32
      %dma_start3A_85 = tpu.memref_slice %arg13[%mul3A_6, %dma_start3A] : memref<10240x128xf32, #tpu.memory_space<vmem_shared>> -> memref<640x128xf32, #tpu.memory_space<vmem_shared>>
      %dma_start3A_86 = arith.constant 0 : i32
      %dma_start3A_87 = tpu.memref_slice %arg5[%mul3A_4, %dma_start3A_86] : memref<10240x128xf32, #tpu.memory_space<hbm>> -> memref<640x128xf32, #tpu.memory_space<hbm>>
      tpu.enqueue_dma source(%dma_start3A_87 : memref<640x128xf32, #tpu.memory_space<hbm>>) target(%dma_start3A_85 : memref<640x128xf32, #tpu.memory_space<vmem_shared>>) target_semaphore(%run_scoped3A : memref<!tpu.dma_semaphore, #tpu.memory_space<semaphore_mem>>)
      %dma_wait3A = arith.constant 0 : i32
      %dma_wait3A_88 = tpu.memref_slice %arg13[%mul3A_6, %dma_wait3A] : memref<10240x128xf32, #tpu.memory_space<vmem_shared>> -> memref<640x128xf32, #tpu.memory_space<vmem_shared>>
      %dma_wait3A_89 = arith.constant 0 : i32
      %dma_wait3A_90 = tpu.memref_slice %arg5[%mul3A_4, %dma_wait3A_89] : memref<10240x128xf32, #tpu.memory_space<hbm>> -> memref<640x128xf32, #tpu.memory_space<hbm>>
      tpu.wait_dma2 semaphore(%run_scoped3A : memref<!tpu.dma_semaphore, #tpu.memory_space<semaphore_mem>>) src(%dma_wait3A_90 : memref<640x128xf32, #tpu.memory_space<hbm>>) dst(%dma_wait3A_88 : memref<640x128xf32, #tpu.memory_space<vmem_shared>>)
      tpu.yield
    }) : () -> ()
    %eq3A_7 = arith.constant 0 : i32
    %eq3A_8 = arith.cmpi eq, %arg1, %eq3A_7 : i32
    %convert_element_type3A = arith.extui %eq3A_8 : i1 to i32
    %cond3A = arith.constant 0 : i32
    %cond3A_9 = arith.cmpi ne, %convert_element_type3A, %cond3A : i32
    scf.if %cond3A_9 {
      "tpu.region"() ({
        %run_scoped3A = tpu.sem_alloc : memref<!tpu.dma_semaphore, #tpu.memory_space<semaphore_mem>>
        tpu.enqueue_dma source(%arg6 : memref<10240xf32, #tpu.memory_space<hbm>>) target(%arg14 : memref<10240xf32, #tpu.memory_space<vmem_shared>>) target_semaphore(%run_scoped3A : memref<!tpu.dma_semaphore, #tpu.memory_space<semaphore_mem>>)
        tpu.wait_dma2 semaphore(%run_scoped3A : memref<!tpu.dma_semaphore, #tpu.memory_space<semaphore_mem>>) src(%arg6 : memref<10240xf32, #tpu.memory_space<hbm>>) dst(%arg14 : memref<10240xf32, #tpu.memory_space<vmem_shared>>)
        tpu.yield
      }) : () -> ()
    } else {
    }
    %broadcast_in_dim3A = arith.constant 1.000000e+00 : f32
    %broadcast_in_dim3A_10 = vector.broadcast %broadcast_in_dim3A : f32 to vector<16xf32>
    %swap3A = arith.constant 0 : index
    %swap3A_11 = tpu.vector_load %arg12[%swap3A] {strides = array<i32>} : memref<128xf32, #tpu.memory_space<vmem>>, vector<16xf32>,
    %swap3A_12 = vector.shape_cast %swap3A_11 : vector<16xf32> to vector<16xf32>
    %swap3A_13 = vector.shape_cast %broadcast_in_dim3A_10 : vector<16xf32> to vector<16xf32>
    tpu.vector_store %arg12[%swap3A], %swap3A_13 {strides = array<i32>} : memref<128xf32, #tpu.memory_space<vmem>>, vector<16xf32>,
    %broadcast_in_dim3A_14 = arith.constant 1.000000e+00 : f32
    %broadcast_in_dim3A_15 = vector.broadcast %broadcast_in_dim3A_14 : f32 to vector<16xf32>
    %swap3A_16 = arith.constant 16 : index
    %swap3A_17 = tpu.vector_load %arg12[%swap3A_16] {strides = array<i32>} : memref<128xf32, #tpu.memory_space<vmem>>, vector<16xf32>,
    %swap3A_18 = vector.shape_cast %swap3A_17 : vector<16xf32> to vector<16xf32>
    %swap3A_19 = vector.shape_cast %broadcast_in_dim3A_15 : vector<16xf32> to vector<16xf32>
    tpu.vector_store %arg12[%swap3A_16], %swap3A_19 {strides = array<i32>} : memref<128xf32, #tpu.memory_space<vmem>>, vector<16xf32>,
    %broadcast_in_dim3A_20 = arith.constant 1.000000e+00 : f32
    %broadcast_in_dim3A_21 = vector.broadcast %broadcast_in_dim3A_20 : f32 to vector<16xf32>
    %swap3A_22 = arith.constant 32 : index
    %swap3A_23 = tpu.vector_load %arg12[%swap3A_22] {strides = array<i32>} : memref<128xf32, #tpu.memory_space<vmem>>, vector<16xf32>,
    %swap3A_24 = vector.shape_cast %swap3A_23 : vector<16xf32> to vector<16xf32>
    %swap3A_25 = vector.shape_cast %broadcast_in_dim3A_21 : vector<16xf32> to vector<16xf32>
    tpu.vector_store %arg12[%swap3A_22], %swap3A_25 {strides = array<i32>} : memref<128xf32, #tpu.memory_space<vmem>>, vector<16xf32>,
    %broadcast_in_dim3A_26 = arith.constant 1.000000e+00 : f32
    %broadcast_in_dim3A_27 = vector.broadcast %broadcast_in_dim3A_26 : f32 to vector<16xf32>
    %swap3A_28 = arith.constant 48 : index
    %swap3A_29 = tpu.vector_load %arg12[%swap3A_28] {strides = array<i32>} : memref<128xf32, #tpu.memory_space<vmem>>, vector<16xf32>,
    %swap3A_30 = vector.shape_cast %swap3A_29 : vector<16xf32> to vector<16xf32>
    %swap3A_31 = vector.shape_cast %broadcast_in_dim3A_27 : vector<16xf32> to vector<16xf32>
    tpu.vector_store %arg12[%swap3A_28], %swap3A_31 {strides = array<i32>} : memref<128xf32, #tpu.memory_space<vmem>>, vector<16xf32>,
    %broadcast_in_dim3A_32 = arith.constant 1.000000e+00 : f32
    %broadcast_in_dim3A_33 = vector.broadcast %broadcast_in_dim3A_32 : f32 to vector<16xf32>
    %swap3A_34 = arith.constant 64 : index
    %swap3A_35 = tpu.vector_load %arg12[%swap3A_34] {strides = array<i32>} : memref<128xf32, #tpu.memory_space<vmem>>, vector<16xf32>,
    %swap3A_36 = vector.shape_cast %swap3A_35 : vector<16xf32> to vector<16xf32>
    %swap3A_37 = vector.shape_cast %broadcast_in_dim3A_33 : vector<16xf32> to vector<16xf32>
    tpu.vector_store %arg12[%swap3A_34], %swap3A_37 {strides = array<i32>} : memref<128xf32, #tpu.memory_space<vmem>>, vector<16xf32>,
    %broadcast_in_dim3A_38 = arith.constant 1.000000e+00 : f32
    %broadcast_in_dim3A_39 = vector.broadcast %broadcast_in_dim3A_38 : f32 to vector<16xf32>
    %swap3A_40 = arith.constant 80 : index
    %swap3A_41 = tpu.vector_load %arg12[%swap3A_40] {strides = array<i32>} : memref<128xf32, #tpu.memory_space<vmem>>, vector<16xf32>,
    %swap3A_42 = vector.shape_cast %swap3A_41 : vector<16xf32> to vector<16xf32>
    %swap3A_43 = vector.shape_cast %broadcast_in_dim3A_39 : vector<16xf32> to vector<16xf32>
    tpu.vector_store %arg12[%swap3A_40], %swap3A_43 {strides = array<i32>} : memref<128xf32, #tpu.memory_space<vmem>>, vector<16xf32>,
    %broadcast_in_dim3A_44 = arith.constant 1.000000e+00 : f32
    %broadcast_in_dim3A_45 = vector.broadcast %broadcast_in_dim3A_44 : f32 to vector<16xf32>
    %swap3A_46 = arith.constant 96 : index
    %swap3A_47 = tpu.vector_load %arg12[%swap3A_46] {strides = array<i32>} : memref<128xf32, #tpu.memory_space<vmem>>, vector<16xf32>,
    %swap3A_48 = vector.shape_cast %swap3A_47 : vector<16xf32> to vector<16xf32>
    %swap3A_49 = vector.shape_cast %broadcast_in_dim3A_45 : vector<16xf32> to vector<16xf32>
    tpu.vector_store %arg12[%swap3A_46], %swap3A_49 {strides = array<i32>} : memref<128xf32, #tpu.memory_space<vmem>>, vector<16xf32>,
    %broadcast_in_dim3A_50 = arith.constant 1.000000e+00 : f32
    %broadcast_in_dim3A_51 = vector.broadcast %broadcast_in_dim3A_50 : f32 to vector<16xf32>
    %swap3A_52 = arith.constant 112 : index
    %swap3A_53 = tpu.vector_load %arg12[%swap3A_52] {strides = array<i32>} : memref<128xf32, #tpu.memory_space<vmem>>, vector<16xf32>,
    %swap3A_54 = vector.shape_cast %swap3A_53 : vector<16xf32> to vector<16xf32>
    %swap3A_55 = vector.shape_cast %broadcast_in_dim3A_51 : vector<16xf32> to vector<16xf32>
    tpu.vector_store %arg12[%swap3A_52], %swap3A_55 {strides = array<i32>} : memref<128xf32, #tpu.memory_space<vmem>>, vector<16xf32>,
    "tpu.region"() ({
      %run_scoped3A = tpu.sem_alloc : memref<!tpu.dma_semaphore, #tpu.memory_space<semaphore_mem>>
      %dma_start3A = arith.constant 0 : i32
      %dma_start3A_85 = arith.constant 0 : i32
      %dma_start3A_86 = tpu.memref_slice %arg3[%add3A, %dma_start3A, %dma_start3A_85] : memref<32x103x128xi32, #tpu.memory_space<hbm>> -> memref<1x103x128xi32, #tpu.memory_space<hbm>>
      %dma_start3A_87 = tpu.memref_squeeze %dma_start3A_86 : memref<1x103x128xi32, #tpu.memory_space<hbm>> -> memref<103x128xi32, #tpu.memory_space<hbm>>
      %dma_start3A_88 = arith.constant 0 : i32
      %dma_start3A_89 = arith.constant 0 : i32
      %dma_start3A_90 = tpu.memref_slice %arg3[%add3A, %dma_start3A_88, %dma_start3A_89] : memref<32x103x128xi32, #tpu.memory_space<hbm>> -> memref<1x103x128xi32, #tpu.memory_space<hbm>>
      %dma_start3A_91 = tpu.memref_squeeze %dma_start3A_90 : memref<1x103x128xi32, #tpu.memory_space<hbm>> -> memref<103x128xi32, #tpu.memory_space<hbm>>
      tpu.enqueue_dma source(%dma_start3A_91 : memref<103x128xi32, #tpu.memory_space<hbm>>) target(%arg9 : memref<103x128xi32, #tpu.memory_space<vmem>>) target_semaphore(%run_scoped3A : memref<!tpu.dma_semaphore, #tpu.memory_space<semaphore_mem>>)
      %dma_wait3A = arith.constant 0 : i32
      %dma_wait3A_92 = arith.constant 0 : i32
      %dma_wait3A_93 = tpu.memref_slice %arg3[%add3A, %dma_wait3A, %dma_wait3A_92] : memref<32x103x128xi32, #tpu.memory_space<hbm>> -> memref<1x103x128xi32, #tpu.memory_space<hbm>>
      %dma_wait3A_94 = tpu.memref_squeeze %dma_wait3A_93 : memref<1x103x128xi32, #tpu.memory_space<hbm>> -> memref<103x128xi32, #tpu.memory_space<hbm>>
      %dma_wait3A_95 = arith.constant 0 : i32
      %dma_wait3A_96 = arith.constant 0 : i32
      %dma_wait3A_97 = tpu.memref_slice %arg3[%add3A, %dma_wait3A_95, %dma_wait3A_96] : memref<32x103x128xi32, #tpu.memory_space<hbm>> -> memref<1x103x128xi32, #tpu.memory_space<hbm>>
      %dma_wait3A_98 = tpu.memref_squeeze %dma_wait3A_97 : memref<1x103x128xi32, #tpu.memory_space<hbm>> -> memref<103x128xi32, #tpu.memory_space<hbm>>
      tpu.wait_dma2 semaphore(%run_scoped3A : memref<!tpu.dma_semaphore, #tpu.memory_space<semaphore_mem>>) src(%dma_wait3A_98 : memref<103x128xi32, #tpu.memory_space<hbm>>) dst(%arg9 : memref<103x128xi32, #tpu.memory_space<vmem>>)
      tpu.yield
    }) : () -> ()
    "tpu.region"() ({
      %run_scoped3A = tpu.sem_alloc : memref<!tpu.dma_semaphore, #tpu.memory_space<semaphore_mem>>
      %dma_start3A = arith.constant 0 : i32
      %dma_start3A_85 = arith.constant 0 : i32
      %dma_start3A_86 = tpu.memref_slice %arg4[%add3A, %dma_start3A, %dma_start3A_85] : memref<32x103x128xi32, #tpu.memory_space<hbm>> -> memref<1x103x128xi32, #tpu.memory_space<hbm>>
      %dma_start3A_87 = tpu.memref_squeeze %dma_start3A_86 : memref<1x103x128xi32, #tpu.memory_space<hbm>> -> memref<103x128xi32, #tpu.memory_space<hbm>>
      %dma_start3A_88 = arith.constant 0 : i32
      %dma_start3A_89 = arith.constant 0 : i32
      %dma_start3A_90 = tpu.memref_slice %arg4[%add3A, %dma_start3A_88, %dma_start3A_89] : memref<32x103x128xi32, #tpu.memory_space<hbm>> -> memref<1x103x128xi32, #tpu.memory_space<hbm>>
      %dma_start3A_91 = tpu.memref_squeeze %dma_start3A_90 : memref<1x103x128xi32, #tpu.memory_space<hbm>> -> memref<103x128xi32, #tpu.memory_space<hbm>>
      tpu.enqueue_dma source(%dma_start3A_91 : memref<103x128xi32, #tpu.memory_space<hbm>>) target(%arg10 : memref<103x128xi32, #tpu.memory_space<vmem>>) target_semaphore(%run_scoped3A : memref<!tpu.dma_semaphore, #tpu.memory_space<semaphore_mem>>)
      %dma_wait3A = arith.constant 0 : i32
      %dma_wait3A_92 = arith.constant 0 : i32
      %dma_wait3A_93 = tpu.memref_slice %arg4[%add3A, %dma_wait3A, %dma_wait3A_92] : memref<32x103x128xi32, #tpu.memory_space<hbm>> -> memref<1x103x128xi32, #tpu.memory_space<hbm>>
      %dma_wait3A_94 = tpu.memref_squeeze %dma_wait3A_93 : memref<1x103x128xi32, #tpu.memory_space<hbm>> -> memref<103x128xi32, #tpu.memory_space<hbm>>
      %dma_wait3A_95 = arith.constant 0 : i32
      %dma_wait3A_96 = arith.constant 0 : i32
      %dma_wait3A_97 = tpu.memref_slice %arg4[%add3A, %dma_wait3A_95, %dma_wait3A_96] : memref<32x103x128xi32, #tpu.memory_space<hbm>> -> memref<1x103x128xi32, #tpu.memory_space<hbm>>
      %dma_wait3A_98 = tpu.memref_squeeze %dma_wait3A_97 : memref<1x103x128xi32, #tpu.memory_space<hbm>> -> memref<103x128xi32, #tpu.memory_space<hbm>>
      tpu.wait_dma2 semaphore(%run_scoped3A : memref<!tpu.dma_semaphore, #tpu.memory_space<semaphore_mem>>) src(%dma_wait3A_98 : memref<103x128xi32, #tpu.memory_space<hbm>>) dst(%arg10 : memref<103x128xi32, #tpu.memory_space<vmem>>)
      tpu.yield
    }) : () -> ()
    %barrier3A = arith.constant 0 : index
    tpu.barrier barrier_id(%barrier3A)
    %while3A = arith.constant 0 : i32
    %while3A_56 = arith.constant 0 : i32
    %while3A_57 = arith.subi %select_n3A, %while3A_56 : i32
    %while3A_58 = arith.addi %while3A_56, %while3A_57 : i32
    %while3A_59 = arith.constant 1 : i32
    %while3A_60 = arith.divsi %while3A_57, %while3A_59 : i32
    %while3A_61 = arith.muli %while3A_60, %while3A_59 : i32
    %while3A_62 = arith.addi %while3A_56, %while3A_61 : i32
    %while3A_63 = arith.constant 1 : i32
    scf.for %while3A_85 = %while3A_56 to %while3A_62 step %while3A_63  : i32 {
      %dma_start3A = arith.constant 0 : i32
      %dma_start3A_86 = tpu.memref_slice %arg9[%while3A_85, %dma_start3A] : memref<103x128xi32, #tpu.memory_space<vmem>> -> memref<1x128xi32, #tpu.memory_space<vmem>>
      %dma_start3A_87 = tpu.memref_squeeze %dma_start3A_86 : memref<1x128xi32, #tpu.memory_space<vmem>> -> memref<128xi32, #tpu.memory_space<vmem>>
      %dma_start3A_88 = arith.constant 0 : i32
      %dma_start3A_89 = arith.constant 0 : i32
      %dma_start3A_90 = tpu.memref_slice %arg2[%dma_start3A_88, %dma_start3A_89] : memref<10000x128xf32, #tpu.memory_space<hbm>> -> memref<10000x128xf32, #tpu.memory_space<hbm>>
      tpu.enqueue_indirect_dma source(%dma_start3A_90 : memref<10000x128xf32, #tpu.memory_space<hbm>>) target(%arg11 : memref<128x128xf32, #tpu.memory_space<vmem>>) offsets(%dma_start3A_87 : memref<128xi32, #tpu.memory_space<vmem>>) semaphore(%arg15 : memref<!tpu.dma_semaphore, #tpu.memory_space<semaphore_mem>>)
      %dma_wait3A = arith.constant 0 : i32
      %dma_wait3A_91 = tpu.memref_slice %arg9[%while3A_85, %dma_wait3A] : memref<103x128xi32, #tpu.memory_space<vmem>> -> memref<1x128xi32, #tpu.memory_space<vmem>>
      %dma_wait3A_92 = tpu.memref_squeeze %dma_wait3A_91 : memref<1x128xi32, #tpu.memory_space<vmem>> -> memref<128xi32, #tpu.memory_space<vmem>>
      %dma_wait3A_93 = arith.constant 0 : i32
      %dma_wait3A_94 = arith.constant 0 : i32
      %dma_wait3A_95 = tpu.memref_slice %arg2[%dma_wait3A_93, %dma_wait3A_94] : memref<10000x128xf32, #tpu.memory_space<hbm>> -> memref<10000x128xf32, #tpu.memory_space<hbm>>
      tpu.wait_indirect_dma semaphore(%arg15 : memref<!tpu.dma_semaphore, #tpu.memory_space<semaphore_mem>>) src(%dma_wait3A_95 : memref<10000x128xf32, #tpu.memory_space<hbm>>) dst(%arg11 : memref<128x128xf32, #tpu.memory_space<vmem>>)
      "tpu.region"() ({
        %run_scoped3A = tpu.sem_alloc : memref<!tpu.dma_semaphore, #tpu.memory_space<semaphore_mem>>
        %dma_start3A_101 = arith.constant 0 : i32
        %dma_start3A_102 = tpu.memref_slice %arg10[%while3A_85, %dma_start3A_101] : memref<103x128xi32, #tpu.memory_space<vmem>> -> memref<1x128xi32, #tpu.memory_space<vmem>>
        %dma_start3A_103 = tpu.memref_squeeze %dma_start3A_102 : memref<1x128xi32, #tpu.memory_space<vmem>> -> memref<128xi32, #tpu.memory_space<vmem>>
        %dma_start3A_104 = arith.constant 0 : i32
        %dma_start3A_105 = arith.constant 0 : i32
        %dma_start3A_106 = tpu.memref_slice %arg13[%dma_start3A_104, %dma_start3A_105] : memref<10240x128xf32, #tpu.memory_space<vmem_shared>> -> memref<10240x128xf32, #tpu.memory_space<vmem_shared>>
        tpu.enqueue_indirect_dma source(%arg11 : memref<128x128xf32, #tpu.memory_space<vmem>>) target(%dma_start3A_106 : memref<10240x128xf32, #tpu.memory_space<vmem_shared>>) offsets(%dma_start3A_103 : memref<128xi32, #tpu.memory_space<vmem>>) semaphore(%run_scoped3A : memref<!tpu.dma_semaphore, #tpu.memory_space<semaphore_mem>>) {add = true}
        %dma_wait3A_107 = arith.constant 0 : i32
        %dma_wait3A_108 = tpu.memref_slice %arg10[%while3A_85, %dma_wait3A_107] : memref<103x128xi32, #tpu.memory_space<vmem>> -> memref<1x128xi32, #tpu.memory_space<vmem>>
        %dma_wait3A_109 = tpu.memref_squeeze %dma_wait3A_108 : memref<1x128xi32, #tpu.memory_space<vmem>> -> memref<128xi32, #tpu.memory_space<vmem>>
        %dma_wait3A_110 = arith.constant 0 : i32
        %dma_wait3A_111 = arith.constant 0 : i32
        %dma_wait3A_112 = tpu.memref_slice %arg13[%dma_wait3A_110, %dma_wait3A_111] : memref<10240x128xf32, #tpu.memory_space<vmem_shared>> -> memref<10240x128xf32, #tpu.memory_space<vmem_shared>>
        tpu.wait_indirect_dma semaphore(%run_scoped3A : memref<!tpu.dma_semaphore, #tpu.memory_space<semaphore_mem>>) src(%arg11 : memref<128x128xf32, #tpu.memory_space<vmem>>) dst(%dma_wait3A_112 : memref<10240x128xf32, #tpu.memory_space<vmem_shared>>)
        tpu.yield
      }) : () -> ()
      %dma_start3A_96 = arith.constant 0 : i32
      %dma_start3A_97 = tpu.memref_slice %arg10[%while3A_85, %dma_start3A_96] : memref<103x128xi32, #tpu.memory_space<vmem>> -> memref<1x128xi32, #tpu.memory_space<vmem>>
      %dma_start3A_98 = tpu.memref_squeeze %dma_start3A_97 : memref<1x128xi32, #tpu.memory_space<vmem>> -> memref<128xi32, #tpu.memory_space<vmem>>
      %dma_start3A_99 = arith.constant 0 : i32
      %dma_start3A_100 = tpu.memref_slice %arg14[%dma_start3A_99] : memref<10240xf32, #tpu.memory_space<vmem_shared>> -> memref<10240xf32, #tpu.memory_space<vmem_shared>>
      tpu.enqueue_indirect_dma source(%arg12 : memref<128xf32, #tpu.memory_space<vmem>>) target(%dma_start3A_100 : memref<10240xf32, #tpu.memory_space<vmem_shared>>) offsets(%dma_start3A_98 : memref<128xi32, #tpu.memory_space<vmem>>) semaphore(%arg16 : memref<!tpu.dma_semaphore, #tpu.memory_space<semaphore_mem>>) {add = true}
    }
    %while3A_64 = arith.constant 1 : i32
    scf.for %while3A_85 = %while3A_62 to %while3A_58 step %while3A_64  : i32 {
      %dma_start3A = arith.constant 0 : i32
      %dma_start3A_86 = tpu.memref_slice %arg9[%while3A_85, %dma_start3A] : memref<103x128xi32, #tpu.memory_space<vmem>> -> memref<1x128xi32, #tpu.memory_space<vmem>>
      %dma_start3A_87 = tpu.memref_squeeze %dma_start3A_86 : memref<1x128xi32, #tpu.memory_space<vmem>> -> memref<128xi32, #tpu.memory_space<vmem>>
      %dma_start3A_88 = arith.constant 0 : i32
      %dma_start3A_89 = arith.constant 0 : i32
      %dma_start3A_90 = tpu.memref_slice %arg2[%dma_start3A_88, %dma_start3A_89] : memref<10000x128xf32, #tpu.memory_space<hbm>> -> memref<10000x128xf32, #tpu.memory_space<hbm>>
      tpu.enqueue_indirect_dma source(%dma_start3A_90 : memref<10000x128xf32, #tpu.memory_space<hbm>>) target(%arg11 : memref<128x128xf32, #tpu.memory_space<vmem>>) offsets(%dma_start3A_87 : memref<128xi32, #tpu.memory_space<vmem>>) semaphore(%arg15 : memref<!tpu.dma_semaphore, #tpu.memory_space<semaphore_mem>>)
      %dma_wait3A = arith.constant 0 : i32
      %dma_wait3A_91 = tpu.memref_slice %arg9[%while3A_85, %dma_wait3A] : memref<103x128xi32, #tpu.memory_space<vmem>> -> memref<1x128xi32, #tpu.memory_space<vmem>>
      %dma_wait3A_92 = tpu.memref_squeeze %dma_wait3A_91 : memref<1x128xi32, #tpu.memory_space<vmem>> -> memref<128xi32, #tpu.memory_space<vmem>>
      %dma_wait3A_93 = arith.constant 0 : i32
      %dma_wait3A_94 = arith.constant 0 : i32
      %dma_wait3A_95 = tpu.memref_slice %arg2[%dma_wait3A_93, %dma_wait3A_94] : memref<10000x128xf32, #tpu.memory_space<hbm>> -> memref<10000x128xf32, #tpu.memory_space<hbm>>
      tpu.wait_indirect_dma semaphore(%arg15 : memref<!tpu.dma_semaphore, #tpu.memory_space<semaphore_mem>>) src(%dma_wait3A_95 : memref<10000x128xf32, #tpu.memory_space<hbm>>) dst(%arg11 : memref<128x128xf32, #tpu.memory_space<vmem>>)
      "tpu.region"() ({
        %run_scoped3A = tpu.sem_alloc : memref<!tpu.dma_semaphore, #tpu.memory_space<semaphore_mem>>
        %dma_start3A_101 = arith.constant 0 : i32
        %dma_start3A_102 = tpu.memref_slice %arg10[%while3A_85, %dma_start3A_101] : memref<103x128xi32, #tpu.memory_space<vmem>> -> memref<1x128xi32, #tpu.memory_space<vmem>>
        %dma_start3A_103 = tpu.memref_squeeze %dma_start3A_102 : memref<1x128xi32, #tpu.memory_space<vmem>> -> memref<128xi32, #tpu.memory_space<vmem>>
        %dma_start3A_104 = arith.constant 0 : i32
        %dma_start3A_105 = arith.constant 0 : i32
        %dma_start3A_106 = tpu.memref_slice %arg13[%dma_start3A_104, %dma_start3A_105] : memref<10240x128xf32, #tpu.memory_space<vmem_shared>> -> memref<10240x128xf32, #tpu.memory_space<vmem_shared>>
        tpu.enqueue_indirect_dma source(%arg11 : memref<128x128xf32, #tpu.memory_space<vmem>>) target(%dma_start3A_106 : memref<10240x128xf32, #tpu.memory_space<vmem_shared>>) offsets(%dma_start3A_103 : memref<128xi32, #tpu.memory_space<vmem>>) semaphore(%run_scoped3A : memref<!tpu.dma_semaphore, #tpu.memory_space<semaphore_mem>>) {add = true}
        %dma_wait3A_107 = arith.constant 0 : i32
        %dma_wait3A_108 = tpu.memref_slice %arg10[%while3A_85, %dma_wait3A_107] : memref<103x128xi32, #tpu.memory_space<vmem>> -> memref<1x128xi32, #tpu.memory_space<vmem>>
        %dma_wait3A_109 = tpu.memref_squeeze %dma_wait3A_108 : memref<1x128xi32, #tpu.memory_space<vmem>> -> memref<128xi32, #tpu.memory_space<vmem>>
        %dma_wait3A_110 = arith.constant 0 : i32
        %dma_wait3A_111 = arith.constant 0 : i32
        %dma_wait3A_112 = tpu.memref_slice %arg13[%dma_wait3A_110, %dma_wait3A_111] : memref<10240x128xf32, #tpu.memory_space<vmem_shared>> -> memref<10240x128xf32, #tpu.memory_space<vmem_shared>>
        tpu.wait_indirect_dma semaphore(%run_scoped3A : memref<!tpu.dma_semaphore, #tpu.memory_space<semaphore_mem>>) src(%arg11 : memref<128x128xf32, #tpu.memory_space<vmem>>) dst(%dma_wait3A_112 : memref<10240x128xf32, #tpu.memory_space<vmem_shared>>)
        tpu.yield
      }) : () -> ()
      %dma_start3A_96 = arith.constant 0 : i32
      %dma_start3A_97 = tpu.memref_slice %arg10[%while3A_85, %dma_start3A_96] : memref<103x128xi32, #tpu.memory_space<vmem>> -> memref<1x128xi32, #tpu.memory_space<vmem>>
      %dma_start3A_98 = tpu.memref_squeeze %dma_start3A_97 : memref<1x128xi32, #tpu.memory_space<vmem>> -> memref<128xi32, #tpu.memory_space<vmem>>
      %dma_start3A_99 = arith.constant 0 : i32
      %dma_start3A_100 = tpu.memref_slice %arg14[%dma_start3A_99] : memref<10240xf32, #tpu.memory_space<vmem_shared>> -> memref<10240xf32, #tpu.memory_space<vmem_shared>>
      tpu.enqueue_indirect_dma source(%arg12 : memref<128xf32, #tpu.memory_space<vmem>>) target(%dma_start3A_100 : memref<10240xf32, #tpu.memory_space<vmem_shared>>) offsets(%dma_start3A_98 : memref<128xi32, #tpu.memory_space<vmem>>) semaphore(%arg16 : memref<!tpu.dma_semaphore, #tpu.memory_space<semaphore_mem>>) {add = true}
    }
    %while3A_65 = arith.constant 0 : i32
    %while3A_66 = arith.constant 0 : i32
    %while3A_67 = arith.subi %select_n3A, %while3A_66 : i32
    %while3A_68 = arith.addi %while3A_66, %while3A_67 : i32
    %while3A_69 = arith.constant 1 : i32
    %while3A_70 = arith.divsi %while3A_67, %while3A_69 : i32
    %while3A_71 = arith.muli %while3A_70, %while3A_69 : i32
    %while3A_72 = arith.addi %while3A_66, %while3A_71 : i32
    %while3A_73 = arith.constant 1 : i32
    scf.for %while3A_85 = %while3A_66 to %while3A_72 step %while3A_73  : i32 {
      %dma_wait3A = arith.constant 0 : i32
      %dma_wait3A_86 = arith.constant 0 : i32
      %dma_wait3A_87 = tpu.memref_slice %arg10[%dma_wait3A, %dma_wait3A_86] : memref<103x128xi32, #tpu.memory_space<vmem>> -> memref<1x128xi32, #tpu.memory_space<vmem>>
      %dma_wait3A_88 = tpu.memref_squeeze %dma_wait3A_87 : memref<1x128xi32, #tpu.memory_space<vmem>> -> memref<128xi32, #tpu.memory_space<vmem>>
      %dma_wait3A_89 = arith.constant 0 : i32
      %dma_wait3A_90 = tpu.memref_slice %arg14[%dma_wait3A_89] : memref<10240xf32, #tpu.memory_space<vmem_shared>> -> memref<10240xf32, #tpu.memory_space<vmem_shared>>
      tpu.wait_indirect_dma semaphore(%arg16 : memref<!tpu.dma_semaphore, #tpu.memory_space<semaphore_mem>>) src(%arg12 : memref<128xf32, #tpu.memory_space<vmem>>) dst(%dma_wait3A_90 : memref<10240xf32, #tpu.memory_space<vmem_shared>>)
    }
    %while3A_74 = arith.constant 1 : i32
    scf.for %while3A_85 = %while3A_72 to %while3A_68 step %while3A_74  : i32 {
      %dma_wait3A = arith.constant 0 : i32
      %dma_wait3A_86 = arith.constant 0 : i32
      %dma_wait3A_87 = tpu.memref_slice %arg10[%dma_wait3A, %dma_wait3A_86] : memref<103x128xi32, #tpu.memory_space<vmem>> -> memref<1x128xi32, #tpu.memory_space<vmem>>
      %dma_wait3A_88 = tpu.memref_squeeze %dma_wait3A_87 : memref<1x128xi32, #tpu.memory_space<vmem>> -> memref<128xi32, #tpu.memory_space<vmem>>
      %dma_wait3A_89 = arith.constant 0 : i32
      %dma_wait3A_90 = tpu.memref_slice %arg14[%dma_wait3A_89] : memref<10240xf32, #tpu.memory_space<vmem_shared>> -> memref<10240xf32, #tpu.memory_space<vmem_shared>>
      tpu.wait_indirect_dma semaphore(%arg16 : memref<!tpu.dma_semaphore, #tpu.memory_space<semaphore_mem>>) src(%arg12 : memref<128xf32, #tpu.memory_space<vmem>>) dst(%dma_wait3A_90 : memref<10240xf32, #tpu.memory_space<vmem_shared>>)
    }
    %barrier3A_75 = arith.constant 0 : index
    tpu.barrier barrier_id(%barrier3A_75)
    %mul3A_76 = arith.constant 640 : i32
    %mul3A_77 = arith.muli %arg1, %mul3A_76 : i32
    %mul3A_78 = arith.constant 640 : i32
    %mul3A_79 = arith.muli %arg1, %mul3A_78 : i32
    "tpu.region"() ({
      %run_scoped3A = tpu.sem_alloc : memref<!tpu.dma_semaphore, #tpu.memory_space<semaphore_mem>>
      %dma_start3A = arith.constant 0 : i32
      %dma_start3A_85 = tpu.memref_slice %arg7[%arg0, %mul3A_79, %dma_start3A] : memref<2x10240x128xf32, #tpu.memory_space<hbm>> -> memref<1x640x128xf32, #tpu.memory_space<hbm>>
      %dma_start3A_86 = tpu.memref_squeeze %dma_start3A_85 : memref<1x640x128xf32, #tpu.memory_space<hbm>> -> memref<640x128xf32, #tpu.memory_space<hbm>>
      %dma_start3A_87 = arith.constant 0 : i32
      %dma_start3A_88 = tpu.memref_slice %arg13[%mul3A_77, %dma_start3A_87] : memref<10240x128xf32, #tpu.memory_space<vmem_shared>> -> memref<640x128xf32, #tpu.memory_space<vmem_shared>>
      tpu.enqueue_dma source(%dma_start3A_88 : memref<640x128xf32, #tpu.memory_space<vmem_shared>>) target(%dma_start3A_86 : memref<640x128xf32, #tpu.memory_space<hbm>>) target_semaphore(%run_scoped3A : memref<!tpu.dma_semaphore, #tpu.memory_space<semaphore_mem>>)
      %dma_wait3A = arith.constant 0 : i32
      %dma_wait3A_89 = tpu.memref_slice %arg7[%arg0, %mul3A_79, %dma_wait3A] : memref<2x10240x128xf32, #tpu.memory_space<hbm>> -> memref<1x640x128xf32, #tpu.memory_space<hbm>>
      %dma_wait3A_90 = tpu.memref_squeeze %dma_wait3A_89 : memref<1x640x128xf32, #tpu.memory_space<hbm>> -> memref<640x128xf32, #tpu.memory_space<hbm>>
      %dma_wait3A_91 = arith.constant 0 : i32
      %dma_wait3A_92 = tpu.memref_slice %arg13[%mul3A_77, %dma_wait3A_91] : memref<10240x128xf32, #tpu.memory_space<vmem_shared>> -> memref<640x128xf32, #tpu.memory_space<vmem_shared>>
      tpu.wait_dma2 semaphore(%run_scoped3A : memref<!tpu.dma_semaphore, #tpu.memory_space<semaphore_mem>>) src(%dma_wait3A_92 : memref<640x128xf32, #tpu.memory_space<vmem_shared>>) dst(%dma_wait3A_90 : memref<640x128xf32, #tpu.memory_space<hbm>>)
      tpu.yield
    }) : () -> ()
    %eq3A_80 = arith.constant 0 : i32
    %eq3A_81 = arith.cmpi eq, %arg1, %eq3A_80 : i32
    %convert_element_type3A_82 = arith.extui %eq3A_81 : i1 to i32
    %cond3A_83 = arith.constant 0 : i32
    %cond3A_84 = arith.cmpi ne, %convert_element_type3A_82, %cond3A_83 : i32
    scf.if %cond3A_84 {
      "tpu.region"() ({
        %run_scoped3A = tpu.sem_alloc : memref<!tpu.dma_semaphore, #tpu.memory_space<semaphore_mem>>
        %dma_start3A = arith.constant 0 : i32
        %dma_start3A_85 = tpu.memref_slice %arg8[%arg0, %dma_start3A] : memref<2x10240xf32, #tpu.memory_space<hbm>> -> memref<1x10240xf32, #tpu.memory_space<hbm>>
        %dma_start3A_86 = tpu.memref_squeeze %dma_start3A_85 : memref<1x10240xf32, #tpu.memory_space<hbm>> -> memref<10240xf32, #tpu.memory_space<hbm>>
        tpu.enqueue_dma source(%arg14 : memref<10240xf32, #tpu.memory_space<vmem_shared>>) target(%dma_start3A_86 : memref<10240xf32, #tpu.memory_space<hbm>>) target_semaphore(%run_scoped3A : memref<!tpu.dma_semaphore, #tpu.memory_space<semaphore_mem>>)
        %dma_wait3A = arith.constant 0 : i32
        %dma_wait3A_87 = tpu.memref_slice %arg8[%arg0, %dma_wait3A] : memref<2x10240xf32, #tpu.memory_space<hbm>> -> memref<1x10240xf32, #tpu.memory_space<hbm>>
        %dma_wait3A_88 = tpu.memref_squeeze %dma_wait3A_87 : memref<1x10240xf32, #tpu.memory_space<hbm>> -> memref<10240xf32, #tpu.memory_space<hbm>>
        tpu.wait_dma2 semaphore(%run_scoped3A : memref<!tpu.dma_semaphore, #tpu.memory_space<semaphore_mem>>) src(%arg14 : memref<10240xf32, #tpu.memory_space<vmem_shared>>) dst(%dma_wait3A_88 : memref<10240xf32, #tpu.memory_space<hbm>>)
        tpu.yield
      }) : () -> ()
    } else {
    }
    return
  }
}

module attributes {stable_mosaic.version = 14 : i64} {
  func.func @_tc_finish(%arg0: i32, %arg1: memref<512x128xf32, #tpu.memory_space<vmem>>, %arg2: memref<512x128xf32, #tpu.memory_space<vmem>>, %arg3: memref<512x1xf32, #tpu.memory_space<vmem>>, %arg4: memref<512x1xf32, #tpu.memory_space<vmem>>, %arg5: memref<128x128xf32, #tpu.memory_space<vmem>>, %arg6: memref<1x128xf32, #tpu.memory_space<vmem>>, %arg7: memref<512x128xf32, #tpu.memory_space<vmem>>) attributes {dimension_semantics = [#tpu.dimension_semantics<arbitrary>], iteration_bounds = array<i64: 20>, scalar_prefetch = 0 : i64, scratch_operands = 0 : i64, tpu.core_type = #tpu.core_type<tc>, window_params = [{transform_indices = @transform_0, window_bounds = array<i64: 512, 128>}, {transform_indices = @transform_1, window_bounds = array<i64: 512, 128>}, {transform_indices = @transform_2, window_bounds = array<i64: 512, 1>}, {transform_indices = @transform_3, window_bounds = array<i64: 512, 1>}, {pipeline_mode = #tpu.pipeline_mode<synchronous>, transform_indices = @transform_4, window_bounds = array<i64: 128, 128>}, {pipeline_mode = #tpu.pipeline_mode<synchronous>, transform_indices = @transform_5, window_bounds = array<i64: 1, 128>}, {transform_indices = @transform_6, window_bounds = array<i64: 512, 128>}]} {
    %get3A = arith.constant 0 : index
    %get3A_0 = arith.constant 0 : index
    %get3A_1 = vector.load %arg1[%get3A, %get3A_0] : memref<512x128xf32, #tpu.memory_space<vmem>>, vector<512x128xf32>
    %get3A_2 = arith.constant 0 : index
    %get3A_3 = arith.constant 0 : index
    %get3A_4 = vector.load %arg2[%get3A_2, %get3A_3] : memref<512x128xf32, #tpu.memory_space<vmem>>, vector<512x128xf32>
    %add3A = arith.addf %get3A_1, %get3A_4 : vector<512x128xf32>
    %get3A_5 = arith.constant 0 : index
    %get3A_6 = arith.constant 0 : index
    %get3A_7 = vector.load %arg3[%get3A_5, %get3A_6] : memref<512x1xf32, #tpu.memory_space<vmem>>, vector<512x1xf32>
    %get3A_8 = arith.constant 0 : index
    %get3A_9 = arith.constant 0 : index
    %get3A_10 = vector.load %arg4[%get3A_8, %get3A_9] : memref<512x1xf32, #tpu.memory_space<vmem>>, vector<512x1xf32>
    %add3A_11 = arith.addf %get3A_7, %get3A_10 : vector<512x1xf32>
    %max3A = arith.constant 1.000000e+00 : f32
    %max3A_12 = vector.broadcast %max3A : f32 to vector<512x1xf32>
    %max3A_13 = arith.maximumf %add3A_11, %max3A_12 : vector<512x1xf32>
    %div3A = arith.constant 1.000000e+00 : f32
    %div3A_14 = vector.broadcast %div3A : f32 to vector<512x1xf32>
    %div3A_15 = arith.divf %div3A_14, %max3A_13 : vector<512x1xf32>
    %mul3A = vector.broadcast %div3A_15 : vector<512x1xf32> to vector<512x128xf32>
    %mul3A_16 = arith.mulf %add3A, %mul3A : vector<512x128xf32>
    %get3A_17 = arith.constant 0 : index
    %get3A_18 = arith.constant 0 : index
    %get3A_19 = vector.load %arg5[%get3A_17, %get3A_18] : memref<128x128xf32, #tpu.memory_space<vmem>>, vector<128x128xf32>
    %dot_general3A = arith.constant dense<0.000000e+00> : vector<512x128xf32>
    %dot_general3A_20 = tpu.matmul %mul3A_16, %get3A_19, %dot_general3A {dimension_numbers = #tpu.dot_dimension_numbers<[1], [0], [0], [1], [0, 0, 1, 1], [], []>, transpose_lhs_hint = false} : vector<512x128xf32>, vector<128x128xf32>, vector<512x128xf32> -> vector<512x128xf32>
    %get3A_21 = arith.constant 0 : index
    %get3A_22 = arith.constant 0 : index
    %get3A_23 = vector.load %arg6[%get3A_21, %get3A_22] : memref<1x128xf32, #tpu.memory_space<vmem>>, vector<1x128xf32>
    %add3A_24 = vector.broadcast %get3A_23 : vector<1x128xf32> to vector<512x128xf32>
    %add3A_25 = arith.addf %dot_general3A_20, %add3A_24 : vector<512x128xf32>
    %ge3A = arith.constant 0.000000e+00 : f32
    %ge3A_26 = vector.broadcast %ge3A : f32 to vector<512x128xf32>
    %ge3A_27 = arith.cmpf oge, %add3A_25, %ge3A_26 : vector<512x128xf32>
    %mul3A_28 = arith.constant 0.00999999977 : f32
    %mul3A_29 = vector.broadcast %mul3A_28 : f32 to vector<512x128xf32>
    %mul3A_30 = arith.mulf %mul3A_29, %add3A_25 : vector<512x128xf32>
    %select_n3A = arith.select %ge3A_27, %add3A_25, %mul3A_30 : vector<512x128xi1>, vector<512x128xf32>
    %swap3A = arith.constant 0 : index
    %swap3A_31 = arith.constant 0 : index
    %swap3A_32 = vector.load %arg7[%swap3A, %swap3A_31] : memref<512x128xf32, #tpu.memory_space<vmem>>, vector<512x128xf32>
    tpu.vector_store %arg7[%swap3A, %swap3A_31], %select_n3A {strides = array<i32>} : memref<512x128xf32, #tpu.memory_space<vmem>>, vector<512x128xf32>,
    return
  }
  func.func @transform_0(%arg0: i32) -> (i32, i32) {
    %c0_i32 = arith.constant 0 : i32
    %c0_i32_0 = arith.constant 0 : i32
    return %arg0, %c0_i32 : i32, i32
  }
  func.func @transform_1(%arg0: i32) -> (i32, i32) {
    %c0_i32 = arith.constant 0 : i32
    %c0_i32_0 = arith.constant 0 : i32
    return %arg0, %c0_i32 : i32, i32
  }
  func.func @transform_2(%arg0: i32) -> (i32, i32) {
    %c0_i32 = arith.constant 0 : i32
    %c0_i32_0 = arith.constant 0 : i32
    return %arg0, %c0_i32 : i32, i32
  }
  func.func @transform_3(%arg0: i32) -> (i32, i32) {
    %c0_i32 = arith.constant 0 : i32
    %c0_i32_0 = arith.constant 0 : i32
    return %arg0, %c0_i32 : i32, i32
  }
  func.func @transform_4(%arg0: i32) -> (i32, i32) {
    %c0_i32 = arith.constant 0 : i32
    %c0_i32_0 = arith.constant 0 : i32
    %c0_i32_1 = arith.constant 0 : i32
    return %c0_i32, %c0_i32_0 : i32, i32
  }
  func.func @transform_5(%arg0: i32) -> (i32, i32) {
    %c0_i32 = arith.constant 0 : i32
    %c0_i32_0 = arith.constant 0 : i32
    %c0_i32_1 = arith.constant 0 : i32
    return %c0_i32, %c0_i32_0 : i32, i32
  }
  func.func @transform_6(%arg0: i32) -> (i32, i32) {
    %c0_i32 = arith.constant 0 : i32
    %c0_i32_0 = arith.constant 0 : i32
    return %arg0, %c0_i32 : i32, i32
  }
}

</mosaic_0001>

<sc_bundles>
// kernel: kernel.4.cloned.1.call-start
scs
__scs_entry_jumppad:
0x0: {  	(pc) =	sbr.rel $0x88, $3  }
0x1: {  	(tag) =	ssettag $0x0;
	lr =	simm.s32 $0x1  }
0x2: {  	[smem:$0x3F9D] =	sst lr;
	_ =	strace $0xD0000000  }
0x3: {  	_ = 	snop  }
0x4: {  	_ = 	snop  }
0x5: {  	_ = 	snop  }
0x6: {  	_ = 	snop  }
0x7: {  	_ = 	snop  }
__scs_overlays_trampoline_lowered:
0x8: {  	[smem:$0x3FAC] =	sst s0  }
0x9: {  	[smem:$0x3FAD] =	sst s1  }
0xa: {  	[smem:$0x3FAE] =	sst s2  }
0xb: {  	[smem:$0x3FAF] =	sst s3  }
0xc: {  	[smem:$0x3FB0] =	sst s4  }
0xd: {  	[smem:$0x3FB1] =	sst s5  }
0xe: {  	[smem:$0x3FB2] =	sst s6  }
0xf: {  	[smem:$0x3FB3] =	sst s7  }
0x10: {  	[smem:$0x3FB4] =	sst s8  }
0x11: {  	[smem:$0x3FB5] =	sst s9;
	s0 =	simm.s32 @!p0 $0x0  }
0x12: {  	s1 =	sld [smem:$0x3F9B];
	s0 =	simm.s32 @p0 $0x1  }
0x13: {  	[smem:$0x3FB6] =	sst s0;
	s0 =	simm.s32 @!p1 $0x0  }
0x14: {  	s2 =	sld [smem:$0x3F9A];
	s0 =	simm.s32 @p1 $0x1  }
0x15: {  	[smem:$0x3FB7] =	sst s0;
	s0 =	simm.s32 @!p2 $0x0  }
0x16: {  	s3 =	sld [smem:$0x3FDB];
	s0 =	simm.s32 @p2 $0x1  }
0x17: {  	s4 =	simm.s32 $0x1BF5;
	[smem:$0x3FB9] =	sst s0  }
0x18: {  	s0 =	sld [smem:$0x3F9C];
	_ =	swait.ge [sflag:s4], $0x0  }
0x19: {  	s7 =	sld [smem:$0x3F9D]  }
0x1a: {  	s8 =	sadd.s32 $0xFFFFE003, lr  }
0x1b: {  	s9 =	sadd.s32 $0xFFFFFEF7, lr;
	s5 =	simm.s32 $0xFFFFFFFF;
	p2 =	slt.u32 s8, $0xFFFFF086  }
0x1c: {  	p1 =	slt.u32 s9, $0xF7A;
	s5 =	simm.s32 @!p2 $0x0  }
0x1d: {  	s5 =	simm.s32 @p1 $0x1;
	p0 =	seq.s32 s7, s2  }
0x1e: {  	s7 =	smul.u32 @!p0 $0xF7A, s2;
	p2 =	seq.s32 @!p0 s5, $0x0  }
0x1f: {  	s9 =	smul.u32 $0xF7A, s1;
	s8 =	simm.s32 @!p0 $0x1BF5;
	p2 =	por !p2, p0  }
0x20: {  	[sflag:s8] =	ssyncset.s32 @!p0 $0xFFFFF086;
	s6 =	sadd.s32 @!p0 s3, s7;
	s7 =	simm.s32 @!p0 $0x108  }
0x21: {  	s3 =	sadd.s32 s3, s9;
	s6 =	sadd.s32 @!p0 $0x88, s6;
	s7 =	simm.s32 @p2 $0x1082  }
0x22: {  	[simem:s7], [sflag:s8] =	dma.local @!p0 [hbm:s6], $0xF7A  }
0x23: {  	s9 =	sor.u32 $0xD0000000, s2;
	s6 =	simm.s32 $0x108;
	_ =	swait.ge @!p0 [sflag:s8], $0x0  }
0x24: {  	s3 =	sadd.s32 $0x88, s3;
	s6 =	simm.s32 @!p1 $0x1082;
	[sflag:s4] =	ssyncset.s32 $0xFFFFF086  }
0x25: {  	[simem:s6], [sflag:s4] =	dma.local [hbm:s3], $0xF7A  }
0x26: {  	[smem:$0x3F9D] =	sst s1;
	(tag) =	ssettag s2;
	_ =	strace s9  }
0x27: {  	s1 =	sld [smem:$0x3FAD]  }
0x28: {  	s2 =	sld [smem:$0x3FAE]  }
0x29: {  	s4 =	sld [smem:$0x3FB0]  }
0x2a: {  	p0 =	seq.s32 s5, $0x0;
	s5 =	sld [smem:$0x3FB1]  }
0x2b: {  	s6 =	sld [smem:$0x3FB2]  }
0x2c: {  	s7 =	sld [smem:$0x3FB3]  }
0x2d: {  	s3 =	simm.s32 $0x108;
	s8 =	sld [smem:$0x3FB4]  }
0x2e: {  	s3 =	simm.s32 @!p0 $0x1082;
	s9 =	sld [smem:$0x3FB5]  }
0x2f: {  	lr =	sadd.s32 s0, s3;
	s0 =	sld [smem:$0x3FAC]  }
0x30: {  	s3 =	sld [smem:$0x3FAF]  }
0x31: {  	[smem:$0x3FB8] =	sst s10  }
0x32: {  	s10 =	sld [smem:$0x3FB6];
	_ =	sdelay $0x3  }
0x33: {  	p0 =	seq.s32 s10, $0x1;
	s10 =	sld [smem:$0x3FB8];
	_ =	sdelay $0x3  }
0x34: {  	[smem:$0x3FB8] =	sst s10  }
0x35: {  	s10 =	sld [smem:$0x3FB7];
	_ =	sdelay $0x3  }
0x36: {  	p1 =	seq.s32 s10, $0x1;
	s10 =	sld [smem:$0x3FB8];
	_ =	sdelay $0x3  }
0x37: {  	[smem:$0x3FB8] =	sst s10  }
0x38: {  	s10 =	sld [smem:$0x3FB9]  }
0x39: {  	_ = 	snop;
	(pc) =	sbr.ind lr, $3  }
0x3a: {  	_ = 	snop  }
0x3b: {  	_ = 	snop  }
0x3c: {  	p2 =	seq.s32 s10, $0x1;
	s10 =	sld [smem:$0x3FB8]  }
0x3d: {  	_ =	shalt  }
0x3e: {  	_ =	shalt  }
0x3f: {  	_ =	shalt  }
0x40: {  	_ =	shalt  }
0x41: {  	_ =	shalt  }
0x42: {  	_ =	shalt  }
0x43: {  	_ =	shalt  }
0x44: {  	_ =	shalt  }
0x45: {  	_ =	shalt  }
0x46: {  	_ =	shalt  }
0x47: {  	_ =	shalt  }
0x48: {  	_ =	shalt  }
0x49: {  	_ =	shalt  }
0x4a: {  	_ =	shalt  }
0x4b: {  	_ =	shalt  }
0x4c: {  	_ =	shalt  }
0x4d: {  	_ =	shalt  }
0x4e: {  	_ =	shalt  }
0x4f: {  	_ =	shalt  }
0x50: {  	_ =	shalt  }
0x51: {  	_ =	shalt  }
0x52: {  	_ =	shalt  }
0x53: {  	_ =	shalt  }
0x54: {  	_ =	shalt  }
0x55: {  	_ =	shalt  }
0x56: {  	_ =	shalt  }
0x57: {  	_ =	shalt  }
0x58: {  	_ =	shalt  }
0x59: {  	_ =	shalt  }
0x5a: {  	_ =	shalt  }
0x5b: {  	_ =	shalt  }
0x5c: {  	_ =	shalt  }
0x5d: {  	_ =	shalt  }
0x5e: {  	_ =	shalt  }
0x5f: {  	_ =	shalt  }
0x60: {  	_ =	shalt  }
0x61: {  	_ =	shalt  }
0x62: {  	_ =	shalt  }
0x63: {  	_ =	shalt  }
0x64: {  	_ =	shalt  }
0x65: {  	_ =	shalt  }
0x66: {  	_ =	shalt  }
0x67: {  	_ =	shalt  }
0x68: {  	_ =	shalt  }
0x69: {  	_ =	shalt  }
0x6a: {  	_ =	shalt  }
0x6b: {  	_ =	shalt  }
0x6c: {  	_ =	shalt  }
0x6d: {  	_ =	shalt  }
0x6e: {  	_ =	shalt  }
0x6f: {  	_ =	shalt  }
0x70: {  	_ =	shalt  }
0x71: {  	_ =	shalt  }
0x72: {  	_ =	shalt  }
0x73: {  	_ =	shalt  }
0x74: {  	_ =	shalt  }
0x75: {  	_ =	shalt  }
0x76: {  	_ =	shalt  }
0x77: {  	_ =	shalt  }
0x78: {  	_ =	shalt  }
0x79: {  	_ =	shalt  }
0x7a: {  	_ =	shalt  }
0x7b: {  	_ =	shalt  }
0x7c: {  	_ =	shalt  }
0x7d: {  	_ =	shalt  }
0x7e: {  	_ =	shalt  }
0x7f: {  	_ =	shalt  }
0x80: {  	_ =	shalt  }
0x81: {  	_ =	shalt  }
0x82: {  	_ =	shalt  }
0x83: {  	_ =	shalt  }
0x84: {  	_ =	shalt  }
0x85: {  	_ =	shalt  }
0x86: {  	_ =	shalt  }
0x87: {  	_ =	shalt  }
.Lfunc_end0:
.L_simem_size_0:
called_computation_lowered:
.L_overlay_start_0:
0x88: {  	s2 =	sld [smem:$0x3FD9]  }
0x89: {  	s3 =	sld [smem:$0x3FFE];
	_ =	sdelay $0x1  }
0x8a: {  	s1 =	srdreg.scid  }
0x8b: {  	s0 =	sand.u32 $0x1, s1  }
0x8c: {  	s17 =	sshll.u32 s0, $0xA;
	s2 =	sadd.s32 s3, s2  }
0x8d: {  	s2 =	sadd.s32 s2, s17  }
0x8e: {  	[smem:$0x3FC4] =	sst s2  }
0x8f: {  	_ = 	snop  }
0x90: {  	s2 =	sld [smem:$0x3FC9]  }
0x91: {  	s18 =	sld [smem:$0x3FD0];
	(tm) =	ssettm $0x1  }
0x92: {  	s4 =	sld [smem:$0x3FFB];
	_ =	sdelay $0x3  }
0x93: {  	_ =	strace s4  }
0x94: {  	s4 =	sld [smem:$0x3FFC];
	_ =	sdelay $0x3  }
0x95: {  	_ =	strace s4  }
0x96: {  	s4 =	sld [smem:$0x3FFD];
	_ =	sdelay $0x3  }
0x97: {  	_ =	strace s4  }
0x98: {  	_ =	strace $0x8FFFFFFF  }
0x99: {  	s19 =	sld [smem:$0x3FDB];
	_ =	sdelay $0x1  }
0x9a: {  	s5 =	simm.s32 $_scs_section_size  }
0x9b: {  	s6 =	simm.s32 $_size__tile_overlayer_lowered;
	s7 =	simm.s32 $_tile_overlayer_lowered  }
0x9c: {  	s22 =	simm.s32 $0x1BFF;
	s21 =	sshll.u32 s7, $0x1;
	s4 =	sadd.s32 s5, s19  }
0x9d: {  	s8 =	simm.s32 $0x0;
	s20 =	sshll.u32 s6, $0x1;
	s6 =	sadd.s32 s21, s4  }
0x9e: {  	[timem:s8], [sflag:s22] =	dma.local [hbm:s6], s20  }
0x9f: {  	_ =	swait.ge [sflag:s22], s20  }
0xa0: {  	s5 =	ssub.s32 $0x0, s20;
	[sflag:s22] =	ssyncset.done $0x0  }
0xa1: {  	[sflag:s22] =	ssyncadd.s32 s5;
	_ =	sdelay $0x1  }
0xa2: {  	s23 =	simm.s32 $0x1B8B  }
0xa3: {  	_ =	swait.ge [sflag:s23], $0x1  }
0xa4: {  	[sflag:s23] =	ssyncset.done $0x0  }
0xa5: {  	s25 =	simm.s32 $0x1B8E;
	s24 =	sld [smem:$0x3FFE];
	[sflag:s23] =	ssyncadd.s32 $0xFFFFFFFF  }
0xa6: {  	s26 =	simm.s32 $execute0_lowered;
	[smem:$0x3FD2] =	sst s25  }
0xa7: {  	s6 =	sshll.u32 s26, $0x1;
	_ =	strace $0x80000046;
	[dreg:$0x1] =	wrdreg $0xFFFFFFFF  }
0xa8: {  	s28 =	simm.s32 $_size_execute0_lowered;
	s4 =	sadd.s32 s4, s6;
	[dreg:$0x0] =	wrdreg $0x0  }
0xa9: {  	s6 =	sshll.u32 s28, $0x1;
	[dreg:$0x2] =	wrdreg s4  }
0xaa: {  	[dreg:$0x3] =	wrdreg s6  }
0xab: {  	[dreg:$0x4] =	wrdreg $0xC0  }
0xac: {  	_ =	task [dreg:s8], $0x5FFFF  }
0xad: {  	[dreg:$0x1] =	wrdreg $0xFFFFFFFF  }
0xae: {  	[dreg:$0x0] =	wrdreg $0x60  }
0xaf: {  	[dreg:$0x2] =	wrdreg s2  }
0xb0: {  	[dreg:$0x3] =	wrdreg s18  }
0xb1: {  	[dreg:$0x4] =	wrdreg s24  }
0xb2: {  	[dreg:$0x5] =	wrdreg $0xA8800  }
0xb3: {  	[dreg:$0x6] =	wrdreg $0x1E8800  }
0xb4: {  	[dreg:$0x7] =	wrdreg $0x9  }
0xb5: {  	_ =	task.clear_ibuf [dreg:s8], $0x8FFFF;
	_ =	strace $0x90000046  }
0xb6: {  	s29 =	simm.s32 $0x9;
	_ =	strace $0x80000048  }
0xb7: {  	_ =	swait.ge [sflag:s29], $0x1  }
0xb8: {  	[sflag:s29] =	ssyncadd.s32 $0xFFFFFFFF  }
0xb9: {  	_ =	strace $0x90000048  }
0xba: {  	_ =	sfence  }
0xbb: {  	s30 =	sld [smem:$0x0];
	_ =	sdelay $0x2  }
0xbc: {  	s31 =	sshll.u32 s1, $0xD;
	s1 =	sshrl.u32 s1, $0x2  }
0xbd: {  	s3 =	sand.u32 $0x4000, s31;
	s1 =	sadd.s32 s1, s30  }
0xbe: {  	s0 =	sor.u32 s3, s0;
	s1 =	sshll.u32 s1, $0x11  }
0xbf: {  	s0 =	sor.u32 s1, s0  }
0xc0: {  	s0 =	sadd.s32 $0x8F2B, s0  }
0xc1: {  	[sflag:s0] =	ssyncadd.remote.s32 $0x1  }
0xc2: {  	_ =	sfence.sel $0xFFFF  }
0xc3: {  	[dreg:$0x0] =	wrdreg $0xFFFFFFFF;
	(pc) =	sbr.abs _section_cstart, $3  }
0xc4: {  	[dreg:$0x1] =	wrdreg $0xFFFFFFFF  }
0xc5: {  	_ =	task.clear_ibuf [dreg:s8], $0x2FFFF;
	_ =	strace $0x9FFFFFFF  }
0xc6: {  	(tm) =	ssettm $0x7FFFFFFF  }
0xc7: {  	_ =	shalt  }
tec
execute0_lowered:
.L_overlay_start_1:
0x0: {  	(tag) =	ssettag $0x1  }
0x1: {  	s0 =	rddreg [dreg:$0x0]  }
0x2: {  	s9 =	rddreg [dreg:$0x1]  }
0x3: {  	s6 =	rddreg [dreg:$0x2]  }
0x4: {  	s2 =	rddreg [dreg:$0x3];
	s1 =	srdreg.scid  }
0x5: {  	s3 =	rddreg [dreg:$0x4];
	s14 =	stileid.u32  }
0x6: {  	s4 =	simm.s32 $0x0;
	s18 =	simm.s32 $0x6800;
	s19 =	simm.s32 $0x1  }
0x7: {  	s20 =	simm.s32 $0xA800;
	s21 =	simm.s32 $0x2;
	s22 =	simm.s32 $0x0  }
0x8: {  	s7 =	sand.u32 $0x1, s1;
	s1 =	rddreg [dreg:$0x5];
	s5 =	smul.u32 $0x14000, s14  }
0x9: {  	[smem:$0x7FF] =	sst s4;
	s29 =	smul.u32 $0x50000, s14;
	s31 =	sshll.u32 s14, $0x6  }
0xa: {  	s8 =	sshll.u32 s7, $0x4;
	s11 =	smul.u32 $0x140000, s7;
	_ =	strace $0x80000047  }
0xb: {  	s15 =	ssub.s32 $0x2, s7;
	p0 =	seq.s32 s7, $0x0;
	s10 =	sor.u32 s14, s8  }
0xc: {  	s12 =	sshrl.u32 s5, $0x3;
	s16 =	sadd.s32 s8, s6;
	s28 =	sshrl.u32 s15, $0x1  }
0xd: {  	s30 =	sshrl.u32 s29, $0x2;
	s8 =	sor.u32 $0x1C03, s31;
	s10 =	smul.u32 $0x680, s10  }
0xe: {  	s5 =	sadd.s32 s5, s11;
	s12 =	sadd.s32 s12, s6;
	s15 =	ssub.s32 s15, s28  }
0xf: {  	s17 =	sadd.s32 s30, s2;
	s13 =	sshrl.u32 s5, $0x3;
	s5 =	sadd.s32 $0xD400, s6  }
0x10: {  	s7 =	sadd.s32 $0xDA00, s12;
	s12 =	sadd.s32 $0x85A00, s16;
	s26 =	sadd.s32 s10, s6  }
0x11: {  	s13 =	sadd.s32 s13, s6;
	s6 =	simm.s32 $0x67;
	s9 =	sadd.s32 s9, s10  }
0x12: {  	s6 =	simm.s32 @!p0 $0x36;
	s10 =	sadd.s32 $0x400, s26;
	s11 =	sadd.s32 $0x35A00, s13  }
0x13: {  	s13 =	smax.u32 s15, $0x1;
	p0 =	sne.s32 s14, $0x0;
	s14 =	sshrl.u32 s17, $0x3  }
0x14: {  	v0 =	vimm.f32 $1.000000000e+00;
	s15 =	simm.s32 $0x3;
	s17 =	simm.s32 $0x80;
	s16 =	sshrl.u32 @!p0 s3, $0x3  }
.LBB2_1:
0x15: {  	[spmem:s14], [sflag:s8] =	dma.local [hbm:s7], $0x2800  }
0x16: {  	_ =	swait.ge [sflag:s15], $0x2800  }
0x17: {  	[sflag:s15] =	ssyncset.done $0x0  }
0x18: {  	s23 =	simm.s32 @!p0 $0x3;
	[sflag:s15] =	ssyncadd.s32 $0xFFFFD800  }
0x19: {  	[spmem:s16], [sflag:s8] =	dma.local @!p0 [hbm:s5], $0x500  }
0x1a: {  	_ =	swait.ge @!p0 [sflag:s23], $0x500  }
0x1b: {  	[sflag:s23] =	ssyncset.done @!p0 $0x0  }
0x1c: {  	[sflag:s23] =	ssyncadd.s32 @!p0 $0xFFFFFB00  }
0x1d: {  	[tilespmem:$0xA800] =	vst v0  }
0x1e: {  	[tilespmem:$0xA810] =	vst v0  }
0x1f: {  	[tilespmem:$0xA820] =	vst v0  }
0x20: {  	[tilespmem:$0xA830] =	vst v0  }
0x21: {  	[tilespmem:$0xA840] =	vst v0  }
0x22: {  	[tilespmem:$0xA850] =	vst v0  }
0x23: {  	[tilespmem:$0xA860] =	vst v0  }
0x24: {  	[tilespmem:$0xA870] =	vst v0  }
0x25: {  	[tilespmem:s4], [sflag:$0x3] =	stream.linear.gather [hbm4b:s9+s4], $0x3380, $0x38;
	[tilespmem:$0x1EB00] =	vst v63  }
0x26: {  	_ =	swait.ge [sflag:s15], $0x3380  }
0x27: {  	[sflag:s15] =	ssyncset.done $0x0  }
0x28: {  	s23 =	simm.s32 $0x3400;
	[sflag:s15] =	ssyncadd.s32 $0xFFFFCC80  }
0x29: {  	[tilespmem:s23], [sflag:$0x3] =	stream.linear.gather [hbm4b:s10+s4], $0x3380, $0x38;
	[tilespmem:$0x1EB00] =	vst v63  }
0x2a: {  	_ =	swait.ge [sflag:s15], $0x3380  }
0x2b: {  	[sflag:s15] =	ssyncset.done $0x0  }
0x2c: {  	[sflag:s15] =	ssyncadd.s32 $0xFFFFCC80  }
0x2d: {  	[bflag:$0x0] =	sbarrier.arrive $0xFFFF  }
0x2e: {  	[tilespmem:s18], [sflag:$0x1] =	stream.indirect.gather [hbm4b:s0+s17], $0x80, s4, s17, $0xb8;
	[tilespmem:$0x1EB00] =	vst v63  }
0x2f: {  	_ =	swait.ge [sflag:s19], $0x4000  }
0x30: {  	p1 =	sne.s32 s6, $0x1;
	[sflag:s19] =	ssyncset.done $0x0  }
.Ltmp0:
0x31: {  	[sflag:s19] =	ssyncadd.s32 $0xFFFFC000;
	(pc) =	sbr.rel @!p1 .LBB2_3-.Ltmp0, $4  }
0x32: {  	[spmem:s2] =	stream.indirect.scatter.add.f32 [tilespmem:s18], [sflag:$0x3], $0x80, s23, s17, $0xb8;
	[tilespmem:$0x1EB00] =	vst v63  }
0x33: {  	_ =	swait.ge [sflag:s15], $0x4000  }
0x34: {  	s24 =	sadd.s32 $0xFFFFFFFF, s6;
	[sflag:s15] =	ssyncset.done $0x0  }
0x35: {  	s25 =	simm.s32 $0x80;
	s26 =	simm.s32 $0x3480;
	[sflag:s15] =	ssyncadd.s32 $0xFFFFC000  }
.LBB2_2:
0x36: {  	[spmem:s3] =	stream.indirect.scatter.add.f32 [tilespmem:s20], [sflag:$0x2], $0x1, s23, s17, $0xb8;
	[tilespmem:$0x1EB00] =	vst v63  }
0x37: {  	p2 =	sne.s32 s24, $0x1;
	s24 =	sadd.s32 $0xFFFFFFFF, s24;
	s23 =	smov.u32 s26  }
0x38: {  	[tilespmem:s18], [sflag:$0x1] =	stream.indirect.gather [hbm4b:s0+s17], $0x80, s25, s17, $0xb8;
	[tilespmem:$0x1EB00] =	vst v63  }
0x39: {  	_ =	swait.ge [sflag:s19], $0x4000  }
0x3a: {  	[sflag:s19] =	ssyncset.done $0x0  }
.Ltmp1:
0x3b: {  	[sflag:s19] =	ssyncadd.s32 $0xFFFFC000;
	(pc) =	sbr.rel @p2 .LBB2_2-.Ltmp1, $4  }
0x3c: {  	[spmem:s2] =	stream.indirect.scatter.add.f32 [tilespmem:s18], [sflag:$0x3], $0x80, s26, s17, $0xb8;
	[tilespmem:$0x1EB00] =	vst v63  }
0x3d: {  	_ =	swait.ge [sflag:s15], $0x4000  }
0x3e: {  	[sflag:s15] =	ssyncset.done $0x0  }
0x3f: {  	s25 =	sadd.s32 $0x80, s25;
	s26 =	sadd.s32 $0x80, s26;
	[sflag:s15] =	ssyncadd.s32 $0xFFFFC000  }
.LBB2_3:
.Ltmp2:
0x40: {  	(pc) =	sbr.rel @!p1 .LBB2_5-.Ltmp2, $4  }
0x41: {  	_ = 	snop  }
0x42: {  	[spmem:s3] =	stream.indirect.scatter.add.f32 [tilespmem:s20], [sflag:$0x2], $0x1, s23, s17, $0xb8;
	[tilespmem:$0x1EB00] =	vst v63  }
0x43: {  	_ =	swait.ge [sflag:s21], $0x80  }
0x44: {  	s23 =	sadd.s32 $0xFFFFFFFF, s6;
	[sflag:s21] =	ssyncset.done $0x0  }
.LBB2_4:
0x45: {  	p1 =	sne.s32 s23, $0x1;
	s23 =	sadd.s32 $0xFFFFFFFF, s23;
	[sflag:s21] =	ssyncadd.s32 $0xFFFFFF80  }
.Ltmp3:
0x46: {  	(pc) =	sbr.rel @p1 .LBB2_4-.Ltmp3, $3  }
0x47: {  	_ =	sdelay $0x1  }
0x48: {  	_ =	swait.ge [sflag:s21], $0x80  }
0x49: {  	[sflag:s21] =	ssyncset.done $0x0  }
.LBB2_5:
0x4a: {  	[sflag:s21] =	ssyncadd.s32 $0xFFFFFF80  }
0x4b: {  	[bflag:$0x0] =	sbarrier.arrive $0xFFFF  }
0x4c: {  	[hbm:s11], [sflag:s8] =	dma.local [spmem:s14], $0x2800  }
0x4d: {  	s23 =	simm.s32 @!p0 $0x1;
	_ =	swait.ge [sflag:s15], $0x2800  }
0x4e: {  	s24 =	simm.s32 @!p0 $0x20;
	s22 =	sadd.s32 $0x1, s22;
	[sflag:s15] =	ssyncset.done $0x0  }
0x4f: {  	s25 =	simm.s32 @!p0 $0x10;
	p1 =	sne.s32 s22, s13;
	[sflag:s15] =	ssyncadd.s32 $0xFFFFD800  }
0x50: {  	[hbm:s12@s24], [sflag:s8] =	dma.strided @!p0 [spmem:s16@s25], $0x500, s23, $0x10   }
.Ltmp4:
0x51: {  	_ = 	snop;
	(pc) =	sbr.rel @p1 .LBB2_1-.Ltmp4, $4  }
0x52: {  	s23 =	simm.s32 @!p0 $0x3  }
0x53: {  	_ =	swait.ge @!p0 [sflag:s23], $0x500  }
0x54: {  	[sflag:s23] =	ssyncset.done @!p0 $0x0  }
0x55: {  	[sflag:s23] =	ssyncadd.s32 @!p0 $0xFFFFFB00  }
0x56: {  	_ =	sfence.sel $0x180000  }
0x57: {  	[bflag:$0x0] =	sbarrier.arrive $0xFFFF  }
0x58: {  	_ =	strace $0x90000047  }
0x59: {  	s0 =	sadd.s32 @!p0 $0x100000, s1;
	[bflag:$0x2] =	sbarrier.arrive $0xFFFF  }
0x5a: {  	[sflag:s0] =	ssyncadd.tile.s32 @!p0 $0x1;
	_ =	shalt  }
.Lfunc_end2:
_tile_overlayer_lowered:
.L_overlay_start_2:
0x5b: {  	(tag) =	ssettag $0x2  }
0x5c: {  	s0 =	rddreg [dreg:$0x0];
	s2 =	stileid.u32  }
0x5d: {  	s1 =	rddreg [dreg:$0x1];
	p0 =	sne.s32 s2, $0x0  }
0x5e: {  	s3 =	rddreg [dreg:$0x2];
	[bflag:$0x3] =	sbarrier.arrive $0xFFFF;
	s2 =	simm.s32 @!p0 $0x1C03  }
0x5f: {  	[timem:s3], [sflag:s2] =	dma.local @!p0 [hbm:s0], s1  }
0x60: {  	s0 =	simm.s32 @!p0 $0x3  }
0x61: {  	_ =	swait.ge @!p0 [sflag:s0], s1  }
0x62: {  	s1 =	ssub.s32 @!p0 $0x0, s1;
	[sflag:s0] =	ssyncset.done @!p0 $0x0  }
0x63: {  	[sflag:s0] =	ssyncadd.s32 @!p0 s1  }
0x64: {  	[bflag:$0x3] =	sbarrier.arrive $0xFFFF  }
0x65: {  	_ =	shalt  }

</sc_bundles>
